<compile_context>
chip_gen: v7x
topology: tpu7x:2x2x1
jax: 0.10.2.dev20260603
libtpu: 0.0.44.dev20260713+nightly
codegen_flags: <defaults>
</compile_context>

<pallas_src>
import functools

import jax
import jax.numpy as jnp
from jax import lax
from jax.experimental import pallas as pl
from jax.experimental.pallas import tpu as pltpu
from jax.experimental.pallas import tpu_sc as plsc

_NUM_EMB = 8192
_DIM = 64
_B = 8
_T = 1024
_CC = 0.25
_NCHUNK = 2048
_INT_MAX = 2**31 - 1


def _k1_body(emb_ref, proj_ref, x_ref, x2_ref, idx_ref, cwp_ref, cwb_scr):
    b = pl.program_id(0)

    @pl.when(b == 0)
    def _():
        cw = lax.dot_general(
            emb_ref[...].astype(jnp.bfloat16),
            proj_ref[...].astype(jnp.bfloat16),
            (((1,), (1,)), ((), ())),
            preferred_element_type=jnp.float32)
        cwb = cw.astype(jnp.bfloat16)
        cwb_scr[...] = cwb
        cwp_ref[:, :_DIM] = cwb.astype(jnp.float32)
        cwp_ref[:, _DIM:] = jnp.zeros((_NUM_EMB, 128 - _DIM), jnp.float32)

    xb2 = (2.0 * x_ref[0]).astype(jnp.bfloat16)
    x2 = x2_ref[0]
    bv = bi = None
    for c in range(_NUM_EMB // _NCHUNK):
        cwc = cwb_scr[c * _NCHUNK:(c + 1) * _NCHUNK, :]
        dot = lax.dot_general(
            cwc, xb2, (((1,), (0,)), ((), ())),
            preferred_element_type=jnp.float32)
        dist = x2 - dot
        cmin = jnp.min(dist, axis=0, keepdims=True)
        ids = lax.broadcasted_iota(jnp.int32, (_NCHUNK, _T), 0).astype(jnp.float32)
        cidx = jnp.min(jnp.where(dist == cmin, ids, jnp.inf),
                       axis=0, keepdims=True) + float(c * _NCHUNK)
        if c == 0:
            bv, bi = cmin, cidx
        else:
            keep = (bv < cmin) | ((bv == cmin) & (bi < cidx))
            bv = jnp.where(keep, bv, cmin)
            bi = jnp.where(keep, bi, cidx)
        bv = bv.astype(jnp.bfloat16).astype(jnp.float32)
    idx_ref[0] = bi.astype(jnp.int32)


def _k3_body(q_ref, x_ref, out_ref, loss_ref):
    b = pl.program_id(0)
    qt = q_ref[0][:, :_DIM].T
    xb = x_ref[0]
    d = qt - xb
    out_ref[0] = xb + d
    part = jnp.sum(d * d)

    @pl.when(b == 0)
    def _():
        loss_ref[0, 0] = part

    @pl.when(jnp.logical_and(b > 0, b < _B - 1))
    def _():
        loss_ref[0, 0] = loss_ref[0, 0] + part

    @pl.when(b == _B - 1)
    def _():
        total = loss_ref[0, 0] + part
        loss_ref[0, 0] = total * ((1.0 + _CC) / float(_B * _T * _DIM))


def _make_sc_gather():
    mesh = plsc.VectorSubcoreMesh(core_axis_name="c", subcore_axis_name="s")
    n_rows = _B * _T // 128
    rows_per_worker = n_rows // 32

    @functools.partial(
        pl.kernel,
        mesh=mesh,
        out_type=jax.ShapeDtypeStruct((n_rows, 128, 128), jnp.float32),
        scratch_types=[
            pltpu.VMEM((128,), jnp.int32),
            pltpu.VMEM((128, 128), jnp.float32),
            pltpu.SemaphoreType.DMA,
        ],
    )
    def gather_k(table_hbm, idx_hbm, out_hbm, idx_v, rows_v, sem):
        wid = lax.axis_index("s") * 2 + lax.axis_index("c")
        for j in range(rows_per_worker):
            row = wid * rows_per_worker + j
            pltpu.sync_copy(idx_hbm.at[row], idx_v)
            pltpu.async_copy(table_hbm.at[idx_v], rows_v, sem).wait()
            pltpu.sync_copy(rows_v, out_hbm.at[row])

    return gather_k


def kernel(inputs, emb_weight, proj_weight):
    xt = jnp.transpose(inputs, (0, 2, 1))
    x2 = jnp.sum(xt * xt, axis=2).reshape(_B, 1, _T)

    idx3, cwp = pl.pallas_call(
        _k1_body,
        grid=(_B,),
        in_specs=[
            pl.BlockSpec((_NUM_EMB, _DIM), lambda b: (0, 0)),
            pl.BlockSpec((_DIM, _DIM), lambda b: (0, 0)),
            pl.BlockSpec((1, _DIM, _T), lambda b: (b, 0, 0)),
            pl.BlockSpec((1, 1, _T), lambda b: (b, 0, 0)),
        ],
        out_specs=[
            pl.BlockSpec((1, 1, _T), lambda b: (b, 0, 0)),
            pl.BlockSpec((_NUM_EMB, 128), lambda b: (0, 0)),
        ],
        out_shape=[
            jax.ShapeDtypeStruct((_B, 1, _T), jnp.int32),
            jax.ShapeDtypeStruct((_NUM_EMB, 128), jnp.float32),
        ],
        scratch_shapes=[pltpu.VMEM((_NUM_EMB, _DIM), jnp.bfloat16)],
    )(emb_weight, proj_weight, inputs, x2)

    idx_rows = idx3.reshape(_B * _T // 128, 128)

    q_rows = _make_sc_gather()(cwp, idx_rows)
    q3 = q_rows.reshape(_B, _T, 128)

    quantized, loss2d = pl.pallas_call(
        _k3_body,
        grid=(_B,),
        in_specs=[
            pl.BlockSpec((1, _T, 128), lambda b: (b, 0, 0)),
            pl.BlockSpec((1, _DIM, _T), lambda b: (b, 0, 0)),
        ],
        out_specs=[
            pl.BlockSpec((1, _DIM, _T), lambda b: (b, 0, 0)),
            pl.BlockSpec(memory_space=pltpu.SMEM),
        ],
        out_shape=[
            jax.ShapeDtypeStruct((_B, _DIM, _T), jnp.float32),
            jax.ShapeDtypeStruct((1, 1), jnp.float32),
        ],
    )(q3, inputs)

    loss = loss2d[0, 0]
    return quantized, loss, idx3.reshape(_B * _T, 1)

# --- scband reference (transcript-rebuilt; emitter-appended) ---
"""Pipeline reference for scband-vector-quantizer-56581899157662 (READ-ONLY COPY).

The authoritative reference and input builder live on the scoring server;
editing this copy changes nothing except your own understanding.
"""

import jax, jax.numpy as jnp
import numpy as np

NUM_EMB = 8192
DIM = 64
B = 8
T = 1024
CC = 0.25

def setup_inputs(seed: int = 0) -> dict:
    key = jax.random.key(seed)
    k1, k2, k3 = jax.random.split(key, 3)
    inputs = jax.random.normal(k1, (B, DIM, T), dtype=jnp.float32)
    emb_weight = jax.random.uniform(k2, (NUM_EMB, DIM), minval=-1.0 / NUM_EMB, maxval=1.0 / NUM_EMB, dtype=jnp.float32)
    proj_weight = jax.random.normal(k3, (DIM, DIM), dtype=jnp.float32) * (1.0 / np.sqrt(DIM))
    return {"inputs": inputs, "emb_weight": emb_weight, "proj_weight": proj_weight}

def reference(inputs, emb_weight, proj_weight):
    # inputs: [B, DIM, T] -> permute(0, 2, 1) -> [B, T, DIM]
    x = jnp.transpose(inputs, (0, 2, 1))
    input_shape = x.shape
    flat_input = x.reshape(-1, DIM)
    # get_codebook_weight: Linear(no bias) on embedding weight -> W @ proj^T
    codebook_weights = emb_weight @ proj_weight.T
    distances = (jnp.sum(flat_input ** 2, axis=1, keepdims=True)
                 + jnp.sum(codebook_weights ** 2, axis=1)
                 - 2.0 * flat_input @ codebook_weights.T)
    encoding_indices = jnp.argmin(distances, axis=1)
    n_tok = flat_input.shape[0]
    encodings = jnp.zeros((n_tok, NUM_EMB), dtype=flat_input.dtype).at[jnp.arange(n_tok), encoding_indices].set(1.0)
    quantized = (encodings @ codebook_weights).reshape(input_shape)
    e_latent_loss = jnp.mean((jax.lax.stop_gradient(quantized) - x) ** 2)
    q_latent_loss = jnp.mean((quantized - jax.lax.stop_gradient(x)) ** 2)
    loss = q_latent_loss + CC * e_latent_loss
    quantized = x + jax.lax.stop_gradient(quantized - x)
    quantized = jnp.transpose(quantized, (0, 2, 1))
    return quantized, loss, encoding_indices[:, None]

if __name__ == "__main__":
    import jax
    _d = setup_inputs()
    print(jax.jit(kernel)(*tuple(_d.values())))

</pallas_src>

<mosaic_0001>
#map = affine_map<(d0, d1) -> (0, 0)>
#map1 = affine_map<(d0, d1) -> (0, 0, 0)>
module attributes {stable_mosaic.version = 14 : i64} {
  func.func @gather_k(%arg0: i32, %arg1: i32, %arg2: memref<8192x128xf32, #tpu.memory_space<hbm>>, %arg3: memref<64x128xi32, #tpu.memory_space<hbm>>, %arg4: memref<64x128x128xf32, #tpu.memory_space<hbm>>, %arg5: memref<128xi32, #tpu.memory_space<vmem>>, %arg6: memref<128x128xf32, #tpu.memory_space<vmem>>, %arg7: memref<!tpu.dma_semaphore, #tpu.memory_space<semaphore_mem>>) attributes {dimension_semantics = [#tpu.dimension_semantics<core_parallel>, #tpu.dimension_semantics<subcore_parallel>], iteration_bounds = array<i64: 2, 16>, scalar_prefetch = 0 : i64, scratch_operands = 3 : i64, tpu.core_type = #tpu.core_type<sc_vector_subcore>, window_params = [{transform_indices = #map}, {transform_indices = #map}, {transform_indices = #map1}]} {
    %mul3A = arith.constant 2 : i32
    %mul3A_0 = arith.muli %arg1, %mul3A : i32
    %add3A = arith.addi %mul3A_0, %arg0 : i32
    %mul3A_1 = arith.constant 2 : i32
    %mul3A_2 = arith.muli %add3A, %mul3A_1 : i32
    %add3A_3 = arith.constant 0 : i32
    %add3A_4 = arith.addi %mul3A_2, %add3A_3 : i32
    "tpu.region"() ({
      %run_scoped3A = tpu.sem_alloc : memref<!tpu.dma_semaphore, #tpu.memory_space<semaphore_mem>>
      %dma_start3A_19 = arith.constant 0 : i32
      %dma_start3A_20 = tpu.memref_slice %arg3[%add3A_4, %dma_start3A_19] : memref<64x128xi32, #tpu.memory_space<hbm>> -> memref<1x128xi32, #tpu.memory_space<hbm>>
      %dma_start3A_21 = tpu.memref_squeeze %dma_start3A_20 : memref<1x128xi32, #tpu.memory_space<hbm>> -> memref<128xi32, #tpu.memory_space<hbm>>
      %dma_start3A_22 = arith.constant 0 : i32
      %dma_start3A_23 = tpu.memref_slice %arg3[%add3A_4, %dma_start3A_22] : memref<64x128xi32, #tpu.memory_space<hbm>> -> memref<1x128xi32, #tpu.memory_space<hbm>>
      %dma_start3A_24 = tpu.memref_squeeze %dma_start3A_23 : memref<1x128xi32, #tpu.memory_space<hbm>> -> memref<128xi32, #tpu.memory_space<hbm>>
      tpu.enqueue_dma source(%dma_start3A_24 : memref<128xi32, #tpu.memory_space<hbm>>) target(%arg5 : memref<128xi32, #tpu.memory_space<vmem>>) target_semaphore(%run_scoped3A : memref<!tpu.dma_semaphore, #tpu.memory_space<semaphore_mem>>)
      %dma_wait3A_25 = arith.constant 0 : i32
      %dma_wait3A_26 = tpu.memref_slice %arg3[%add3A_4, %dma_wait3A_25] : memref<64x128xi32, #tpu.memory_space<hbm>> -> memref<1x128xi32, #tpu.memory_space<hbm>>
      %dma_wait3A_27 = tpu.memref_squeeze %dma_wait3A_26 : memref<1x128xi32, #tpu.memory_space<hbm>> -> memref<128xi32, #tpu.memory_space<hbm>>
      %dma_wait3A_28 = arith.constant 0 : i32
      %dma_wait3A_29 = tpu.memref_slice %arg3[%add3A_4, %dma_wait3A_28] : memref<64x128xi32, #tpu.memory_space<hbm>> -> memref<1x128xi32, #tpu.memory_space<hbm>>
      %dma_wait3A_30 = tpu.memref_squeeze %dma_wait3A_29 : memref<1x128xi32, #tpu.memory_space<hbm>> -> memref<128xi32, #tpu.memory_space<hbm>>
      tpu.wait_dma2 semaphore(%run_scoped3A : memref<!tpu.dma_semaphore, #tpu.memory_space<semaphore_mem>>) src(%dma_wait3A_30 : memref<128xi32, #tpu.memory_space<hbm>>) dst(%arg5 : memref<128xi32, #tpu.memory_space<vmem>>)
      tpu.yield
    }) : () -> ()
    %dma_start3A = arith.constant 0 : i32
    %dma_start3A_5 = arith.constant 0 : i32
    %dma_start3A_6 = tpu.memref_slice %arg2[%dma_start3A, %dma_start3A_5] : memref<8192x128xf32, #tpu.memory_space<hbm>> -> memref<8192x128xf32, #tpu.memory_space<hbm>>
    tpu.enqueue_indirect_dma source(%dma_start3A_6 : memref<8192x128xf32, #tpu.memory_space<hbm>>) target(%arg6 : memref<128x128xf32, #tpu.memory_space<vmem>>) offsets(%arg5 : memref<128xi32, #tpu.memory_space<vmem>>) semaphore(%arg7 : memref<!tpu.dma_semaphore, #tpu.memory_space<semaphore_mem>>)
    %dma_wait3A = arith.constant 0 : i32
    %dma_wait3A_7 = arith.constant 0 : i32
    %dma_wait3A_8 = tpu.memref_slice %arg2[%dma_wait3A, %dma_wait3A_7] : memref<8192x128xf32, #tpu.memory_space<hbm>> -> memref<8192x128xf32, #tpu.memory_space<hbm>>
    tpu.wait_indirect_dma semaphore(%arg7 : memref<!tpu.dma_semaphore, #tpu.memory_space<semaphore_mem>>) src(%dma_wait3A_8 : memref<8192x128xf32, #tpu.memory_space<hbm>>) dst(%arg6 : memref<128x128xf32, #tpu.memory_space<vmem>>)
    "tpu.region"() ({
      %run_scoped3A = tpu.sem_alloc : memref<!tpu.dma_semaphore, #tpu.memory_space<semaphore_mem>>
      %dma_start3A_19 = arith.constant 0 : i32
      %dma_start3A_20 = arith.constant 0 : i32
      %dma_start3A_21 = tpu.memref_slice %arg4[%add3A_4, %dma_start3A_19, %dma_start3A_20] : memref<64x128x128xf32, #tpu.memory_space<hbm>> -> memref<1x128x128xf32, #tpu.memory_space<hbm>>
      %dma_start3A_22 = tpu.memref_squeeze %dma_start3A_21 : memref<1x128x128xf32, #tpu.memory_space<hbm>> -> memref<128x128xf32, #tpu.memory_space<hbm>>
      %dma_start3A_23 = arith.constant 0 : i32
      %dma_start3A_24 = arith.constant 0 : i32
      %dma_start3A_25 = tpu.memref_slice %arg4[%add3A_4, %dma_start3A_23, %dma_start3A_24] : memref<64x128x128xf32, #tpu.memory_space<hbm>> -> memref<1x128x128xf32, #tpu.memory_space<hbm>>
      %dma_start3A_26 = tpu.memref_squeeze %dma_start3A_25 : memref<1x128x128xf32, #tpu.memory_space<hbm>> -> memref<128x128xf32, #tpu.memory_space<hbm>>
      tpu.enqueue_dma source(%arg6 : memref<128x128xf32, #tpu.memory_space<vmem>>) target(%dma_start3A_26 : memref<128x128xf32, #tpu.memory_space<hbm>>) target_semaphore(%run_scoped3A : memref<!tpu.dma_semaphore, #tpu.memory_space<semaphore_mem>>)
      %dma_wait3A_27 = arith.constant 0 : i32
      %dma_wait3A_28 = arith.constant 0 : i32
      %dma_wait3A_29 = tpu.memref_slice %arg4[%add3A_4, %dma_wait3A_27, %dma_wait3A_28] : memref<64x128x128xf32, #tpu.memory_space<hbm>> -> memref<1x128x128xf32, #tpu.memory_space<hbm>>
      %dma_wait3A_30 = tpu.memref_squeeze %dma_wait3A_29 : memref<1x128x128xf32, #tpu.memory_space<hbm>> -> memref<128x128xf32, #tpu.memory_space<hbm>>
      %dma_wait3A_31 = arith.constant 0 : i32
      %dma_wait3A_32 = arith.constant 0 : i32
      %dma_wait3A_33 = tpu.memref_slice %arg4[%add3A_4, %dma_wait3A_31, %dma_wait3A_32] : memref<64x128x128xf32, #tpu.memory_space<hbm>> -> memref<1x128x128xf32, #tpu.memory_space<hbm>>
      %dma_wait3A_34 = tpu.memref_squeeze %dma_wait3A_33 : memref<1x128x128xf32, #tpu.memory_space<hbm>> -> memref<128x128xf32, #tpu.memory_space<hbm>>
      tpu.wait_dma2 semaphore(%run_scoped3A : memref<!tpu.dma_semaphore, #tpu.memory_space<semaphore_mem>>) src(%arg6 : memref<128x128xf32, #tpu.memory_space<vmem>>) dst(%dma_wait3A_34 : memref<128x128xf32, #tpu.memory_space<hbm>>)
      tpu.yield
    }) : () -> ()
    %mul3A_9 = arith.constant 2 : i32
    %mul3A_10 = arith.muli %add3A, %mul3A_9 : i32
    %add3A_11 = arith.constant 1 : i32
    %add3A_12 = arith.addi %mul3A_10, %add3A_11 : i32
    "tpu.region"() ({
      %run_scoped3A = tpu.sem_alloc : memref<!tpu.dma_semaphore, #tpu.memory_space<semaphore_mem>>
      %dma_start3A_19 = arith.constant 0 : i32
      %dma_start3A_20 = tpu.memref_slice %arg3[%add3A_12, %dma_start3A_19] : memref<64x128xi32, #tpu.memory_space<hbm>> -> memref<1x128xi32, #tpu.memory_space<hbm>>
      %dma_start3A_21 = tpu.memref_squeeze %dma_start3A_20 : memref<1x128xi32, #tpu.memory_space<hbm>> -> memref<128xi32, #tpu.memory_space<hbm>>
      %dma_start3A_22 = arith.constant 0 : i32
      %dma_start3A_23 = tpu.memref_slice %arg3[%add3A_12, %dma_start3A_22] : memref<64x128xi32, #tpu.memory_space<hbm>> -> memref<1x128xi32, #tpu.memory_space<hbm>>
      %dma_start3A_24 = tpu.memref_squeeze %dma_start3A_23 : memref<1x128xi32, #tpu.memory_space<hbm>> -> memref<128xi32, #tpu.memory_space<hbm>>
      tpu.enqueue_dma source(%dma_start3A_24 : memref<128xi32, #tpu.memory_space<hbm>>) target(%arg5 : memref<128xi32, #tpu.memory_space<vmem>>) target_semaphore(%run_scoped3A : memref<!tpu.dma_semaphore, #tpu.memory_space<semaphore_mem>>)
      %dma_wait3A_25 = arith.constant 0 : i32
      %dma_wait3A_26 = tpu.memref_slice %arg3[%add3A_12, %dma_wait3A_25] : memref<64x128xi32, #tpu.memory_space<hbm>> -> memref<1x128xi32, #tpu.memory_space<hbm>>
      %dma_wait3A_27 = tpu.memref_squeeze %dma_wait3A_26 : memref<1x128xi32, #tpu.memory_space<hbm>> -> memref<128xi32, #tpu.memory_space<hbm>>
      %dma_wait3A_28 = arith.constant 0 : i32
      %dma_wait3A_29 = tpu.memref_slice %arg3[%add3A_12, %dma_wait3A_28] : memref<64x128xi32, #tpu.memory_space<hbm>> -> memref<1x128xi32, #tpu.memory_space<hbm>>
      %dma_wait3A_30 = tpu.memref_squeeze %dma_wait3A_29 : memref<1x128xi32, #tpu.memory_space<hbm>> -> memref<128xi32, #tpu.memory_space<hbm>>
      tpu.wait_dma2 semaphore(%run_scoped3A : memref<!tpu.dma_semaphore, #tpu.memory_space<semaphore_mem>>) src(%dma_wait3A_30 : memref<128xi32, #tpu.memory_space<hbm>>) dst(%arg5 : memref<128xi32, #tpu.memory_space<vmem>>)
      tpu.yield
    }) : () -> ()
    %dma_start3A_13 = arith.constant 0 : i32
    %dma_start3A_14 = arith.constant 0 : i32
    %dma_start3A_15 = tpu.memref_slice %arg2[%dma_start3A_13, %dma_start3A_14] : memref<8192x128xf32, #tpu.memory_space<hbm>> -> memref<8192x128xf32, #tpu.memory_space<hbm>>
    tpu.enqueue_indirect_dma source(%dma_start3A_15 : memref<8192x128xf32, #tpu.memory_space<hbm>>) target(%arg6 : memref<128x128xf32, #tpu.memory_space<vmem>>) offsets(%arg5 : memref<128xi32, #tpu.memory_space<vmem>>) semaphore(%arg7 : memref<!tpu.dma_semaphore, #tpu.memory_space<semaphore_mem>>)
    %dma_wait3A_16 = arith.constant 0 : i32
    %dma_wait3A_17 = arith.constant 0 : i32
    %dma_wait3A_18 = tpu.memref_slice %arg2[%dma_wait3A_16, %dma_wait3A_17] : memref<8192x128xf32, #tpu.memory_space<hbm>> -> memref<8192x128xf32, #tpu.memory_space<hbm>>
    tpu.wait_indirect_dma semaphore(%arg7 : memref<!tpu.dma_semaphore, #tpu.memory_space<semaphore_mem>>) src(%dma_wait3A_18 : memref<8192x128xf32, #tpu.memory_space<hbm>>) dst(%arg6 : memref<128x128xf32, #tpu.memory_space<vmem>>)
    "tpu.region"() ({
      %run_scoped3A = tpu.sem_alloc : memref<!tpu.dma_semaphore, #tpu.memory_space<semaphore_mem>>
      %dma_start3A_19 = arith.constant 0 : i32
      %dma_start3A_20 = arith.constant 0 : i32
      %dma_start3A_21 = tpu.memref_slice %arg4[%add3A_12, %dma_start3A_19, %dma_start3A_20] : memref<64x128x128xf32, #tpu.memory_space<hbm>> -> memref<1x128x128xf32, #tpu.memory_space<hbm>>
      %dma_start3A_22 = tpu.memref_squeeze %dma_start3A_21 : memref<1x128x128xf32, #tpu.memory_space<hbm>> -> memref<128x128xf32, #tpu.memory_space<hbm>>
      %dma_start3A_23 = arith.constant 0 : i32
      %dma_start3A_24 = arith.constant 0 : i32
      %dma_start3A_25 = tpu.memref_slice %arg4[%add3A_12, %dma_start3A_23, %dma_start3A_24] : memref<64x128x128xf32, #tpu.memory_space<hbm>> -> memref<1x128x128xf32, #tpu.memory_space<hbm>>
      %dma_start3A_26 = tpu.memref_squeeze %dma_start3A_25 : memref<1x128x128xf32, #tpu.memory_space<hbm>> -> memref<128x128xf32, #tpu.memory_space<hbm>>
      tpu.enqueue_dma source(%arg6 : memref<128x128xf32, #tpu.memory_space<vmem>>) target(%dma_start3A_26 : memref<128x128xf32, #tpu.memory_space<hbm>>) target_semaphore(%run_scoped3A : memref<!tpu.dma_semaphore, #tpu.memory_space<semaphore_mem>>)
      %dma_wait3A_27 = arith.constant 0 : i32
      %dma_wait3A_28 = arith.constant 0 : i32
      %dma_wait3A_29 = tpu.memref_slice %arg4[%add3A_12, %dma_wait3A_27, %dma_wait3A_28] : memref<64x128x128xf32, #tpu.memory_space<hbm>> -> memref<1x128x128xf32, #tpu.memory_space<hbm>>
      %dma_wait3A_30 = tpu.memref_squeeze %dma_wait3A_29 : memref<1x128x128xf32, #tpu.memory_space<hbm>> -> memref<128x128xf32, #tpu.memory_space<hbm>>
      %dma_wait3A_31 = arith.constant 0 : i32
      %dma_wait3A_32 = arith.constant 0 : i32
      %dma_wait3A_33 = tpu.memref_slice %arg4[%add3A_12, %dma_wait3A_31, %dma_wait3A_32] : memref<64x128x128xf32, #tpu.memory_space<hbm>> -> memref<1x128x128xf32, #tpu.memory_space<hbm>>
      %dma_wait3A_34 = tpu.memref_squeeze %dma_wait3A_33 : memref<1x128x128xf32, #tpu.memory_space<hbm>> -> memref<128x128xf32, #tpu.memory_space<hbm>>
      tpu.wait_dma2 semaphore(%run_scoped3A : memref<!tpu.dma_semaphore, #tpu.memory_space<semaphore_mem>>) src(%arg6 : memref<128x128xf32, #tpu.memory_space<vmem>>) dst(%dma_wait3A_34 : memref<128x128xf32, #tpu.memory_space<hbm>>)
      tpu.yield
    }) : () -> ()
    return
  }
}

module attributes {stable_mosaic.version = 14 : i64} {
  func.func @_k1_body(%arg0: i32, %arg1: memref<8192x64xf32, #tpu.memory_space<vmem>>, %arg2: memref<64x64xf32, #tpu.memory_space<vmem>>, %arg3: memref<1x64x1024xf32, #tpu.memory_space<vmem>>, %arg4: memref<1x1x1024xf32, #tpu.memory_space<vmem>>, %arg5: memref<1x1x1024xi32, #tpu.memory_space<vmem>>, %arg6: memref<8192x128xf32, #tpu.memory_space<vmem>>, %arg7: memref<8192x64xbf16, #tpu.memory_space<vmem>>) attributes {dimension_semantics = [#tpu.dimension_semantics<arbitrary>], iteration_bounds = array<i64: 8>, scalar_prefetch = 0 : i64, scratch_operands = 1 : i64, tpu.core_type = #tpu.core_type<tc>, window_params = [{pipeline_mode = #tpu.pipeline_mode<synchronous>, transform_indices = @transform_0, window_bounds = array<i64: 8192, 64>}, {pipeline_mode = #tpu.pipeline_mode<synchronous>, transform_indices = @transform_1, window_bounds = array<i64: 64, 64>}, {transform_indices = @transform_2, window_bounds = array<i64: 1, 64, 1024>}, {transform_indices = @transform_3, window_bounds = array<i64: 1, 1, 1024>}, {transform_indices = @transform_4, window_bounds = array<i64: 1, 1, 1024>}, {pipeline_mode = #tpu.pipeline_mode<synchronous>, transform_indices = @transform_5, window_bounds = array<i64: 8192, 128>}]} {
    %eq3A = arith.constant 0 : i32
    %eq3A_0 = arith.cmpi eq, %arg0, %eq3A : i32
    %convert_element_type3A = arith.extui %eq3A_0 : i1 to i32
    %cond3A = arith.constant 0 : i32
    %cond3A_1 = arith.cmpi ne, %convert_element_type3A, %cond3A : i32
    scf.if %cond3A_1 {
      %get3A_127 = arith.constant 0 : index
      %get3A_128 = arith.constant 0 : index
      %get3A_129 = vector.load %arg1[%get3A_127, %get3A_128] : memref<8192x64xf32, #tpu.memory_space<vmem>>, vector<8192x64xf32>
      %convert_element_type3A_130 = arith.truncf %get3A_129 : vector<8192x64xf32> to vector<8192x64xbf16>
      %get3A_131 = arith.constant 0 : index
      %get3A_132 = arith.constant 0 : index
      %get3A_133 = vector.load %arg2[%get3A_131, %get3A_132] : memref<64x64xf32, #tpu.memory_space<vmem>>, vector<64x64xf32>
      %convert_element_type3A_134 = arith.truncf %get3A_133 : vector<64x64xf32> to vector<64x64xbf16>
      %dot_general3A_135 = arith.constant dense<0.000000e+00> : vector<8192x64xf32>
      %dot_general3A_136 = tpu.matmul %convert_element_type3A_130, %convert_element_type3A_134, %dot_general3A_135 {dimension_numbers = #tpu.dot_dimension_numbers<[1], [1], [0], [0], [0, 0, 1, 0], [], []>, transpose_lhs_hint = false} : vector<8192x64xbf16>, vector<64x64xbf16>, vector<8192x64xf32> -> vector<8192x64xf32>
      %convert_element_type3A_137 = arith.truncf %dot_general3A_136 : vector<8192x64xf32> to vector<8192x64xbf16>
      %swap3A_138 = arith.constant 0 : index
      %swap3A_139 = arith.constant 0 : index
      %swap3A_140 = vector.load %arg7[%swap3A_138, %swap3A_139] : memref<8192x64xbf16, #tpu.memory_space<vmem>>, vector<8192x64xbf16>
      tpu.vector_store %arg7[%swap3A_138, %swap3A_139], %convert_element_type3A_137 {strides = array<i32>} : memref<8192x64xbf16, #tpu.memory_space<vmem>>, vector<8192x64xbf16>,
      %convert_element_type3A_141 = arith.extf %convert_element_type3A_137 : vector<8192x64xbf16> to vector<8192x64xf32>
      %swap3A_142 = arith.constant 0 : index
      %swap3A_143 = arith.constant 0 : index
      %swap3A_144 = vector.load %arg6[%swap3A_142, %swap3A_143] : memref<8192x128xf32, #tpu.memory_space<vmem>>, vector<8192x64xf32>
      tpu.vector_store %arg6[%swap3A_142, %swap3A_143], %convert_element_type3A_141 {strides = array<i32>} : memref<8192x128xf32, #tpu.memory_space<vmem>>, vector<8192x64xf32>,
      %broadcast_in_dim3A_145 = arith.constant 0.000000e+00 : f32
      %broadcast_in_dim3A_146 = vector.broadcast %broadcast_in_dim3A_145 : f32 to vector<8192x64xf32>
      %swap3A_147 = arith.constant 0 : index
      %swap3A_148 = arith.constant 64 : index
      %swap3A_149 = vector.load %arg6[%swap3A_147, %swap3A_148] : memref<8192x128xf32, #tpu.memory_space<vmem>>, vector<8192x64xf32>
      tpu.vector_store %arg6[%swap3A_147, %swap3A_148], %broadcast_in_dim3A_146 {strides = array<i32>} : memref<8192x128xf32, #tpu.memory_space<vmem>>, vector<8192x64xf32>,
    } else {
    }
    %get3A = arith.constant 0 : index
    %get3A_2 = arith.constant 0 : index
    %get3A_3 = arith.constant 0 : index
    %get3A_4 = vector.load %arg3[%get3A, %get3A_2, %get3A_3] : memref<1x64x1024xf32, #tpu.memory_space<vmem>>, vector<1x64x1024xf32>
    %get3A_5 = vector.shape_cast %get3A_4 : vector<1x64x1024xf32> to vector<64x1024xf32>
    %mul3A = arith.constant 2.000000e+00 : f32
    %mul3A_6 = vector.broadcast %mul3A : f32 to vector<64x1024xf32>
    %mul3A_7 = arith.mulf %mul3A_6, %get3A_5 : vector<64x1024xf32>
    %convert_element_type3A_8 = arith.truncf %mul3A_7 : vector<64x1024xf32> to vector<64x1024xbf16>
    %get3A_9 = arith.constant 0 : index
    %get3A_10 = arith.constant 0 : index
    %get3A_11 = arith.constant 0 : index
    %get3A_12 = vector.load %arg4[%get3A_9, %get3A_10, %get3A_11] : memref<1x1x1024xf32, #tpu.memory_space<vmem>>, vector<1x1x1024xf32>
    %get3A_13 = vector.shape_cast %get3A_12 : vector<1x1x1024xf32> to vector<1x1024xf32>
    %get3A_14 = arith.constant 0 : index
    %get3A_15 = arith.constant 0 : index
    %get3A_16 = vector.load %arg7[%get3A_14, %get3A_15] : memref<8192x64xbf16, #tpu.memory_space<vmem>>, vector<2048x64xbf16>
    %dot_general3A = arith.constant dense<0.000000e+00> : vector<2048x1024xf32>
    %dot_general3A_17 = tpu.matmul %get3A_16, %convert_element_type3A_8, %dot_general3A {dimension_numbers = #tpu.dot_dimension_numbers<[1], [0], [0], [1], [0, 0, 1, 1], [], []>, transpose_lhs_hint = false} : vector<2048x64xbf16>, vector<64x1024xbf16>, vector<2048x1024xf32> -> vector<2048x1024xf32>
    %sub3A = vector.broadcast %get3A_13 : vector<1x1024xf32> to vector<2048x1024xf32>
    %sub3A_18 = arith.subf %sub3A, %dot_general3A_17 : vector<2048x1024xf32>
    %reduce_min3A = arith.constant dense<0x7F800000> : vector<1024xf32>
    %reduce_min3A_19 = vector.multi_reduction <minimumf>, %sub3A_18, %reduce_min3A [0] : vector<2048x1024xf32> to vector<1024xf32>
    %broadcast_in_dim3A = vector.shape_cast %reduce_min3A_19 : vector<1024xf32> to vector<1x1024xf32>
    %iota3A = tpu.iota {dimensions = array<i32: 0>} : vector<2048x1024xi32>
    %convert_element_type3A_20 = arith.sitofp %iota3A : vector<2048x1024xi32> to vector<2048x1024xf32>
    %eq3A_21 = vector.broadcast %broadcast_in_dim3A : vector<1x1024xf32> to vector<2048x1024xf32>
    %eq3A_22 = arith.cmpf oeq, %sub3A_18, %eq3A_21 : vector<2048x1024xf32>
    %jit3A = arith.constant 0x7F800000 : f32
    %broadcast_in_dim3A_23 = vector.broadcast %jit3A : f32 to vector<2048x1024xf32>
    %select_n3A = arith.select %eq3A_22, %convert_element_type3A_20, %broadcast_in_dim3A_23 : vector<2048x1024xi1>, vector<2048x1024xf32>
    %reduce_min3A_24 = arith.constant dense<0x7F800000> : vector<1024xf32>
    %reduce_min3A_25 = vector.multi_reduction <minimumf>, %select_n3A, %reduce_min3A_24 [0] : vector<2048x1024xf32> to vector<1024xf32>
    %broadcast_in_dim3A_26 = vector.shape_cast %reduce_min3A_25 : vector<1024xf32> to vector<1x1024xf32>
    %add3A = arith.constant 0.000000e+00 : f32
    %add3A_27 = vector.broadcast %add3A : f32 to vector<1x1024xf32>
    %add3A_28 = arith.addf %broadcast_in_dim3A_26, %add3A_27 : vector<1x1024xf32>
    %convert_element_type3A_29 = arith.truncf %broadcast_in_dim3A : vector<1x1024xf32> to vector<1x1024xbf16>
    %convert_element_type3A_30 = arith.extf %convert_element_type3A_29 : vector<1x1024xbf16> to vector<1x1024xf32>
    %get3A_31 = arith.constant 2048 : index
    %get3A_32 = arith.constant 0 : index
    %get3A_33 = vector.load %arg7[%get3A_31, %get3A_32] : memref<8192x64xbf16, #tpu.memory_space<vmem>>, vector<2048x64xbf16>
    %dot_general3A_34 = arith.constant dense<0.000000e+00> : vector<2048x1024xf32>
    %dot_general3A_35 = tpu.matmul %get3A_33, %convert_element_type3A_8, %dot_general3A_34 {dimension_numbers = #tpu.dot_dimension_numbers<[1], [0], [0], [1], [0, 0, 1, 1], [], []>, transpose_lhs_hint = false} : vector<2048x64xbf16>, vector<64x1024xbf16>, vector<2048x1024xf32> -> vector<2048x1024xf32>
    %sub3A_36 = vector.broadcast %get3A_13 : vector<1x1024xf32> to vector<2048x1024xf32>
    %sub3A_37 = arith.subf %sub3A_36, %dot_general3A_35 : vector<2048x1024xf32>
    %reduce_min3A_38 = arith.constant dense<0x7F800000> : vector<1024xf32>
    %reduce_min3A_39 = vector.multi_reduction <minimumf>, %sub3A_37, %reduce_min3A_38 [0] : vector<2048x1024xf32> to vector<1024xf32>
    %broadcast_in_dim3A_40 = vector.shape_cast %reduce_min3A_39 : vector<1024xf32> to vector<1x1024xf32>
    %iota3A_41 = tpu.iota {dimensions = array<i32: 0>} : vector<2048x1024xi32>
    %convert_element_type3A_42 = arith.sitofp %iota3A_41 : vector<2048x1024xi32> to vector<2048x1024xf32>
    %eq3A_43 = vector.broadcast %broadcast_in_dim3A_40 : vector<1x1024xf32> to vector<2048x1024xf32>
    %eq3A_44 = arith.cmpf oeq, %sub3A_37, %eq3A_43 : vector<2048x1024xf32>
    %jit3A_45 = arith.constant 0x7F800000 : f32
    %broadcast_in_dim3A_46 = vector.broadcast %jit3A_45 : f32 to vector<2048x1024xf32>
    %select_n3A_47 = arith.select %eq3A_44, %convert_element_type3A_42, %broadcast_in_dim3A_46 : vector<2048x1024xi1>, vector<2048x1024xf32>
    %reduce_min3A_48 = arith.constant dense<0x7F800000> : vector<1024xf32>
    %reduce_min3A_49 = vector.multi_reduction <minimumf>, %select_n3A_47, %reduce_min3A_48 [0] : vector<2048x1024xf32> to vector<1024xf32>
    %broadcast_in_dim3A_50 = vector.shape_cast %reduce_min3A_49 : vector<1024xf32> to vector<1x1024xf32>
    %add3A_51 = arith.constant 2.048000e+03 : f32
    %add3A_52 = vector.broadcast %add3A_51 : f32 to vector<1x1024xf32>
    %add3A_53 = arith.addf %broadcast_in_dim3A_50, %add3A_52 : vector<1x1024xf32>
    %lt3A = arith.cmpf olt, %convert_element_type3A_30, %broadcast_in_dim3A_40 : vector<1x1024xf32>
    %eq3A_54 = arith.cmpf oeq, %convert_element_type3A_30, %broadcast_in_dim3A_40 : vector<1x1024xf32>
    %lt3A_55 = arith.cmpf olt, %add3A_28, %add3A_53 : vector<1x1024xf32>
    %and3A = arith.andi %eq3A_54, %lt3A_55 : vector<1x1024xi1>
    %or3A = arith.ori %lt3A, %and3A : vector<1x1024xi1>
    %select_n3A_56 = arith.select %or3A, %convert_element_type3A_30, %broadcast_in_dim3A_40 : vector<1x1024xi1>, vector<1x1024xf32>
    %select_n3A_57 = arith.select %or3A, %add3A_28, %add3A_53 : vector<1x1024xi1>, vector<1x1024xf32>
    %convert_element_type3A_58 = arith.truncf %select_n3A_56 : vector<1x1024xf32> to vector<1x1024xbf16>
    %convert_element_type3A_59 = arith.extf %convert_element_type3A_58 : vector<1x1024xbf16> to vector<1x1024xf32>
    %get3A_60 = arith.constant 4096 : index
    %get3A_61 = arith.constant 0 : index
    %get3A_62 = vector.load %arg7[%get3A_60, %get3A_61] : memref<8192x64xbf16, #tpu.memory_space<vmem>>, vector<2048x64xbf16>
    %dot_general3A_63 = arith.constant dense<0.000000e+00> : vector<2048x1024xf32>
    %dot_general3A_64 = tpu.matmul %get3A_62, %convert_element_type3A_8, %dot_general3A_63 {dimension_numbers = #tpu.dot_dimension_numbers<[1], [0], [0], [1], [0, 0, 1, 1], [], []>, transpose_lhs_hint = false} : vector<2048x64xbf16>, vector<64x1024xbf16>, vector<2048x1024xf32> -> vector<2048x1024xf32>
    %sub3A_65 = vector.broadcast %get3A_13 : vector<1x1024xf32> to vector<2048x1024xf32>
    %sub3A_66 = arith.subf %sub3A_65, %dot_general3A_64 : vector<2048x1024xf32>
    %reduce_min3A_67 = arith.constant dense<0x7F800000> : vector<1024xf32>
    %reduce_min3A_68 = vector.multi_reduction <minimumf>, %sub3A_66, %reduce_min3A_67 [0] : vector<2048x1024xf32> to vector<1024xf32>
    %broadcast_in_dim3A_69 = vector.shape_cast %reduce_min3A_68 : vector<1024xf32> to vector<1x1024xf32>
    %iota3A_70 = tpu.iota {dimensions = array<i32: 0>} : vector<2048x1024xi32>
    %convert_element_type3A_71 = arith.sitofp %iota3A_70 : vector<2048x1024xi32> to vector<2048x1024xf32>
    %eq3A_72 = vector.broadcast %broadcast_in_dim3A_69 : vector<1x1024xf32> to vector<2048x1024xf32>
    %eq3A_73 = arith.cmpf oeq, %sub3A_66, %eq3A_72 : vector<2048x1024xf32>
    %jit3A_74 = arith.constant 0x7F800000 : f32
    %broadcast_in_dim3A_75 = vector.broadcast %jit3A_74 : f32 to vector<2048x1024xf32>
    %select_n3A_76 = arith.select %eq3A_73, %convert_element_type3A_71, %broadcast_in_dim3A_75 : vector<2048x1024xi1>, vector<2048x1024xf32>
    %reduce_min3A_77 = arith.constant dense<0x7F800000> : vector<1024xf32>
    %reduce_min3A_78 = vector.multi_reduction <minimumf>, %select_n3A_76, %reduce_min3A_77 [0] : vector<2048x1024xf32> to vector<1024xf32>
    %broadcast_in_dim3A_79 = vector.shape_cast %reduce_min3A_78 : vector<1024xf32> to vector<1x1024xf32>
    %add3A_80 = arith.constant 4.096000e+03 : f32
    %add3A_81 = vector.broadcast %add3A_80 : f32 to vector<1x1024xf32>
    %add3A_82 = arith.addf %broadcast_in_dim3A_79, %add3A_81 : vector<1x1024xf32>
    %lt3A_83 = arith.cmpf olt, %convert_element_type3A_59, %broadcast_in_dim3A_69 : vector<1x1024xf32>
    %eq3A_84 = arith.cmpf oeq, %convert_element_type3A_59, %broadcast_in_dim3A_69 : vector<1x1024xf32>
    %lt3A_85 = arith.cmpf olt, %select_n3A_57, %add3A_82 : vector<1x1024xf32>
    %and3A_86 = arith.andi %eq3A_84, %lt3A_85 : vector<1x1024xi1>
    %or3A_87 = arith.ori %lt3A_83, %and3A_86 : vector<1x1024xi1>
    %select_n3A_88 = arith.select %or3A_87, %convert_element_type3A_59, %broadcast_in_dim3A_69 : vector<1x1024xi1>, vector<1x1024xf32>
    %select_n3A_89 = arith.select %or3A_87, %select_n3A_57, %add3A_82 : vector<1x1024xi1>, vector<1x1024xf32>
    %convert_element_type3A_90 = arith.truncf %select_n3A_88 : vector<1x1024xf32> to vector<1x1024xbf16>
    %convert_element_type3A_91 = arith.extf %convert_element_type3A_90 : vector<1x1024xbf16> to vector<1x1024xf32>
    %get3A_92 = arith.constant 6144 : index
    %get3A_93 = arith.constant 0 : index
    %get3A_94 = vector.load %arg7[%get3A_92, %get3A_93] : memref<8192x64xbf16, #tpu.memory_space<vmem>>, vector<2048x64xbf16>
    %dot_general3A_95 = arith.constant dense<0.000000e+00> : vector<2048x1024xf32>
    %dot_general3A_96 = tpu.matmul %get3A_94, %convert_element_type3A_8, %dot_general3A_95 {dimension_numbers = #tpu.dot_dimension_numbers<[1], [0], [0], [1], [0, 0, 1, 1], [], []>, transpose_lhs_hint = false} : vector<2048x64xbf16>, vector<64x1024xbf16>, vector<2048x1024xf32> -> vector<2048x1024xf32>
    %sub3A_97 = vector.broadcast %get3A_13 : vector<1x1024xf32> to vector<2048x1024xf32>
    %sub3A_98 = arith.subf %sub3A_97, %dot_general3A_96 : vector<2048x1024xf32>
    %reduce_min3A_99 = arith.constant dense<0x7F800000> : vector<1024xf32>
    %reduce_min3A_100 = vector.multi_reduction <minimumf>, %sub3A_98, %reduce_min3A_99 [0] : vector<2048x1024xf32> to vector<1024xf32>
    %broadcast_in_dim3A_101 = vector.shape_cast %reduce_min3A_100 : vector<1024xf32> to vector<1x1024xf32>
    %iota3A_102 = tpu.iota {dimensions = array<i32: 0>} : vector<2048x1024xi32>
    %convert_element_type3A_103 = arith.sitofp %iota3A_102 : vector<2048x1024xi32> to vector<2048x1024xf32>
    %eq3A_104 = vector.broadcast %broadcast_in_dim3A_101 : vector<1x1024xf32> to vector<2048x1024xf32>
    %eq3A_105 = arith.cmpf oeq, %sub3A_98, %eq3A_104 : vector<2048x1024xf32>
    %jit3A_106 = arith.constant 0x7F800000 : f32
    %broadcast_in_dim3A_107 = vector.broadcast %jit3A_106 : f32 to vector<2048x1024xf32>
    %select_n3A_108 = arith.select %eq3A_105, %convert_element_type3A_103, %broadcast_in_dim3A_107 : vector<2048x1024xi1>, vector<2048x1024xf32>
    %reduce_min3A_109 = arith.constant dense<0x7F800000> : vector<1024xf32>
    %reduce_min3A_110 = vector.multi_reduction <minimumf>, %select_n3A_108, %reduce_min3A_109 [0] : vector<2048x1024xf32> to vector<1024xf32>
    %broadcast_in_dim3A_111 = vector.shape_cast %reduce_min3A_110 : vector<1024xf32> to vector<1x1024xf32>
    %add3A_112 = arith.constant 6.144000e+03 : f32
    %add3A_113 = vector.broadcast %add3A_112 : f32 to vector<1x1024xf32>
    %add3A_114 = arith.addf %broadcast_in_dim3A_111, %add3A_113 : vector<1x1024xf32>
    %lt3A_115 = arith.cmpf olt, %convert_element_type3A_91, %broadcast_in_dim3A_101 : vector<1x1024xf32>
    %eq3A_116 = arith.cmpf oeq, %convert_element_type3A_91, %broadcast_in_dim3A_101 : vector<1x1024xf32>
    %lt3A_117 = arith.cmpf olt, %select_n3A_89, %add3A_114 : vector<1x1024xf32>
    %and3A_118 = arith.andi %eq3A_116, %lt3A_117 : vector<1x1024xi1>
    %or3A_119 = arith.ori %lt3A_115, %and3A_118 : vector<1x1024xi1>
    %select_n3A_120 = arith.select %or3A_119, %select_n3A_89, %add3A_114 : vector<1x1024xi1>, vector<1x1024xf32>
    %convert_element_type3A_121 = arith.fptosi %select_n3A_120 : vector<1x1024xf32> to vector<1x1024xi32>
    %swap3A = arith.constant 0 : index
    %swap3A_122 = arith.constant 0 : index
    %swap3A_123 = arith.constant 0 : index
    %swap3A_124 = vector.load %arg5[%swap3A, %swap3A_122, %swap3A_123] : memref<1x1x1024xi32, #tpu.memory_space<vmem>>, vector<1x1x1024xi32>
    %swap3A_125 = vector.shape_cast %swap3A_124 : vector<1x1x1024xi32> to vector<1x1024xi32>
    %swap3A_126 = vector.shape_cast %convert_element_type3A_121 : vector<1x1024xi32> to vector<1x1x1024xi32>
    tpu.vector_store %arg5[%swap3A, %swap3A_122, %swap3A_123], %swap3A_126 {strides = array<i32>} : memref<1x1x1024xi32, #tpu.memory_space<vmem>>, vector<1x1x1024xi32>,
    return
  }
  func.func @transform_0(%arg0: i32) -> (i32, i32) {
    %c0_i32 = arith.constant 0 : i32
    %c0_i32_0 = arith.constant 0 : i32
    %c0_i32_1 = arith.constant 0 : i32
    return %c0_i32, %c0_i32_0 : i32, i32
  }
  func.func @transform_1(%arg0: i32) -> (i32, i32) {
    %c0_i32 = arith.constant 0 : i32
    %c0_i32_0 = arith.constant 0 : i32
    %c0_i32_1 = arith.constant 0 : i32
    return %c0_i32, %c0_i32_0 : i32, i32
  }
  func.func @transform_2(%arg0: i32) -> (i32, i32, i32) {
    %c0_i32 = arith.constant 0 : i32
    %c0_i32_0 = arith.constant 0 : i32
    %c0_i32_1 = arith.constant 0 : i32
    return %arg0, %c0_i32, %c0_i32_0 : i32, i32, i32
  }
  func.func @transform_3(%arg0: i32) -> (i32, i32, i32) {
    %c0_i32 = arith.constant 0 : i32
    %c0_i32_0 = arith.constant 0 : i32
    %c0_i32_1 = arith.constant 0 : i32
    return %arg0, %c0_i32, %c0_i32_0 : i32, i32, i32
  }
  func.func @transform_4(%arg0: i32) -> (i32, i32, i32) {
    %c0_i32 = arith.constant 0 : i32
    %c0_i32_0 = arith.constant 0 : i32
    %c0_i32_1 = arith.constant 0 : i32
    return %arg0, %c0_i32, %c0_i32_0 : i32, i32, i32
  }
  func.func @transform_5(%arg0: i32) -> (i32, i32) {
    %c0_i32 = arith.constant 0 : i32
    %c0_i32_0 = arith.constant 0 : i32
    %c0_i32_1 = arith.constant 0 : i32
    return %c0_i32, %c0_i32_0 : i32, i32
  }
}

module attributes {stable_mosaic.version = 14 : i64} {
  func.func @_k3_body(%arg0: i32, %arg1: memref<1x1024x128xf32, #tpu.memory_space<vmem>>, %arg2: memref<1x64x1024xf32, #tpu.memory_space<vmem>>, %arg3: memref<1x64x1024xf32, #tpu.memory_space<vmem>>, %arg4: memref<1x1xf32, #tpu.memory_space<smem>>) attributes {dimension_semantics = [#tpu.dimension_semantics<arbitrary>], iteration_bounds = array<i64: 8>, scalar_prefetch = 0 : i64, scratch_operands = 0 : i64, tpu.core_type = #tpu.core_type<tc>, window_params = [{transform_indices = @transform_0, window_bounds = array<i64: 1, 1024, 128>}, {transform_indices = @transform_1, window_bounds = array<i64: 1, 64, 1024>}, {transform_indices = @transform_2, window_bounds = array<i64: 1, 64, 1024>}, {transform_indices = @transform_3, window_bounds = array<i64: 1, 1>}]} {
    %get3A = arith.constant 0 : index
    %get3A_0 = arith.constant 0 : index
    %get3A_1 = arith.constant 0 : index
    %get3A_2 = vector.load %arg1[%get3A, %get3A_0, %get3A_1] : memref<1x1024x128xf32, #tpu.memory_space<vmem>>, vector<1x1024x128xf32>
    %get3A_3 = vector.shape_cast %get3A_2 : vector<1x1024x128xf32> to vector<1024x128xf32>
    %slice3A = vector.extract_strided_slice %get3A_3 {offsets = [0, 0], sizes = [1024, 64], strides = [1, 1]} : vector<1024x128xf32> to vector<1024x64xf32>
    %transpose3A = tpu.transpose %slice3A, [1, 0] : vector<1024x64xf32> -> vector<64x1024xf32>
    %get3A_4 = arith.constant 0 : index
    %get3A_5 = arith.constant 0 : index
    %get3A_6 = arith.constant 0 : index
    %get3A_7 = vector.load %arg2[%get3A_4, %get3A_5, %get3A_6] : memref<1x64x1024xf32, #tpu.memory_space<vmem>>, vector<1x64x1024xf32>
    %get3A_8 = vector.shape_cast %get3A_7 : vector<1x64x1024xf32> to vector<64x1024xf32>
    %sub3A = arith.subf %transpose3A, %get3A_8 : vector<64x1024xf32>
    %add3A = arith.addf %get3A_8, %sub3A : vector<64x1024xf32>
    %swap3A = arith.constant 0 : index
    %swap3A_9 = arith.constant 0 : index
    %swap3A_10 = arith.constant 0 : index
    %swap3A_11 = vector.load %arg3[%swap3A, %swap3A_9, %swap3A_10] : memref<1x64x1024xf32, #tpu.memory_space<vmem>>, vector<1x64x1024xf32>
    %swap3A_12 = vector.shape_cast %swap3A_11 : vector<1x64x1024xf32> to vector<64x1024xf32>
    %swap3A_13 = vector.shape_cast %add3A : vector<64x1024xf32> to vector<1x64x1024xf32>
    tpu.vector_store %arg3[%swap3A, %swap3A_9, %swap3A_10], %swap3A_13 {strides = array<i32>} : memref<1x64x1024xf32, #tpu.memory_space<vmem>>, vector<1x64x1024xf32>,
    %mul3A = arith.mulf %sub3A, %sub3A : vector<64x1024xf32>
    %reduce_sum3A = vector.shape_cast %mul3A : vector<64x1024xf32> to vector<1x64x1024xf32>
    %reduce_sum3A_14 = arith.constant dense<0.000000e+00> : vector<1xf32>
    %reduce_sum3A_15 = vector.multi_reduction <add>, %reduce_sum3A, %reduce_sum3A_14 [1, 2] : vector<1x64x1024xf32> to vector<1xf32>
    %reduce_sum3A_16 = vector.shape_cast %reduce_sum3A_15 : vector<1xf32> to vector<1x1x1xf32>
    %reduce_sum3A_17 = vector.extract %reduce_sum3A_16[0, 0, 0] : f32 from vector<1x1x1xf32>
    %eq3A = arith.constant 0 : i32
    %eq3A_18 = arith.cmpi eq, %arg0, %eq3A : i32
    %convert_element_type3A = arith.extui %eq3A_18 : i1 to i32
    %cond3A = arith.constant 0 : i32
    %cond3A_19 = arith.cmpi ne, %convert_element_type3A, %cond3A : i32
    scf.if %cond3A_19 {
      %swap3A_30 = arith.constant 0 : index
      %swap3A_31 = arith.constant 0 : index
      %swap3A_32 = memref.load %arg4[%swap3A_30, %swap3A_31] : memref<1x1xf32, #tpu.memory_space<smem>>
      memref.store %reduce_sum3A_17, %arg4[%swap3A_30, %swap3A_31] : memref<1x1xf32, #tpu.memory_space<smem>>
    } else {
    }
    %gt3A = arith.constant 0 : i32
    %gt3A_20 = arith.cmpi sgt, %arg0, %gt3A : i32
    %lt3A = arith.constant 7 : i32
    %lt3A_21 = arith.cmpi slt, %arg0, %lt3A : i32
    %and3A = arith.andi %gt3A_20, %lt3A_21 : i1
    %convert_element_type3A_22 = arith.extui %and3A : i1 to i32
    %cond3A_23 = arith.constant 0 : i32
    %cond3A_24 = arith.cmpi ne, %convert_element_type3A_22, %cond3A_23 : i32
    scf.if %cond3A_24 {
      %get3A_30 = arith.constant 0 : index
      %get3A_31 = arith.constant 0 : index
      %get3A_32 = memref.load %arg4[%get3A_30, %get3A_31] : memref<1x1xf32, #tpu.memory_space<smem>>
      %add3A_33 = arith.addf %get3A_32, %reduce_sum3A_17 : f32
      %swap3A_34 = arith.constant 0 : index
      %swap3A_35 = arith.constant 0 : index
      %swap3A_36 = memref.load %arg4[%swap3A_34, %swap3A_35] : memref<1x1xf32, #tpu.memory_space<smem>>
      memref.store %add3A_33, %arg4[%swap3A_34, %swap3A_35] : memref<1x1xf32, #tpu.memory_space<smem>>
    } else {
    }
    %eq3A_25 = arith.constant 7 : i32
    %eq3A_26 = arith.cmpi eq, %arg0, %eq3A_25 : i32
    %convert_element_type3A_27 = arith.extui %eq3A_26 : i1 to i32
    %cond3A_28 = arith.constant 0 : i32
    %cond3A_29 = arith.cmpi ne, %convert_element_type3A_27, %cond3A_28 : i32
    scf.if %cond3A_29 {
      %get3A_30 = arith.constant 0 : index
      %get3A_31 = arith.constant 0 : index
      %get3A_32 = memref.load %arg4[%get3A_30, %get3A_31] : memref<1x1xf32, #tpu.memory_space<smem>>
      %add3A_33 = arith.addf %get3A_32, %reduce_sum3A_17 : f32
      %mul3A_34 = arith.constant 2.38418579E-6 : f32
      %mul3A_35 = arith.mulf %add3A_33, %mul3A_34 : f32
      %swap3A_36 = arith.constant 0 : index
      %swap3A_37 = arith.constant 0 : index
      %swap3A_38 = memref.load %arg4[%swap3A_36, %swap3A_37] : memref<1x1xf32, #tpu.memory_space<smem>>
      memref.store %mul3A_35, %arg4[%swap3A_36, %swap3A_37] : memref<1x1xf32, #tpu.memory_space<smem>>
    } else {
    }
    return
  }
  func.func @transform_0(%arg0: i32) -> (i32, i32, i32) {
    %c0_i32 = arith.constant 0 : i32
    %c0_i32_0 = arith.constant 0 : i32
    %c0_i32_1 = arith.constant 0 : i32
    return %arg0, %c0_i32, %c0_i32_0 : i32, i32, i32
  }
  func.func @transform_1(%arg0: i32) -> (i32, i32, i32) {
    %c0_i32 = arith.constant 0 : i32
    %c0_i32_0 = arith.constant 0 : i32
    %c0_i32_1 = arith.constant 0 : i32
    return %arg0, %c0_i32, %c0_i32_0 : i32, i32, i32
  }
  func.func @transform_2(%arg0: i32) -> (i32, i32, i32) {
    %c0_i32 = arith.constant 0 : i32
    %c0_i32_0 = arith.constant 0 : i32
    %c0_i32_1 = arith.constant 0 : i32
    return %arg0, %c0_i32, %c0_i32_0 : i32, i32, i32
  }
  func.func @transform_3(%arg0: i32) -> (i32, i32) {
    %c0_i32 = arith.constant 0 : i32
    %c0_i32_0 = arith.constant 0 : i32
    %c0_i32_1 = arith.constant 0 : i32
    return %c0_i32, %c0_i32_0 : i32, i32
  }
}

</mosaic_0001>

<sc_bundles>
// kernel: kernel.5.cloned.1.call-start
scs
__scs_entry_jumppad:
0x0: {  	(pc) =	sbr.rel $0x88, $3  }
0x1: {  	(tag) =	ssettag $0x0;
	lr =	simm.s32 $0x1  }
0x2: {  	[smem:$0x3F9E] =	sst lr;
	_ =	strace $0xD0000000  }
0x3: {  	_ = 	snop  }
0x4: {  	_ = 	snop  }
0x5: {  	_ = 	snop  }
0x6: {  	_ = 	snop  }
0x7: {  	_ = 	snop  }
__scs_overlays_trampoline_lowered:
0x8: {  	[smem:$0x3FAD] =	sst s0  }
0x9: {  	[smem:$0x3FAE] =	sst s1  }
0xa: {  	[smem:$0x3FAF] =	sst s2  }
0xb: {  	[smem:$0x3FB0] =	sst s3  }
0xc: {  	[smem:$0x3FB1] =	sst s4  }
0xd: {  	[smem:$0x3FB2] =	sst s5  }
0xe: {  	[smem:$0x3FB3] =	sst s6  }
0xf: {  	[smem:$0x3FB4] =	sst s7  }
0x10: {  	[smem:$0x3FB5] =	sst s8  }
0x11: {  	[smem:$0x3FB6] =	sst s9;
	s0 =	simm.s32 @!p0 $0x0  }
0x12: {  	s1 =	sld [smem:$0x3F9C];
	s0 =	simm.s32 @p0 $0x1  }
0x13: {  	[smem:$0x3FB7] =	sst s0;
	s0 =	simm.s32 @!p1 $0x0  }
0x14: {  	s2 =	sld [smem:$0x3F9B];
	s0 =	simm.s32 @p1 $0x1  }
0x15: {  	[smem:$0x3FB8] =	sst s0;
	s0 =	simm.s32 @!p2 $0x0  }
0x16: {  	s3 =	sld [smem:$0x3FDB];
	s0 =	simm.s32 @p2 $0x1  }
0x17: {  	s4 =	simm.s32 $0x1BF5;
	[smem:$0x3FBA] =	sst s0  }
0x18: {  	s0 =	sld [smem:$0x3F9D];
	_ =	swait.ge [sflag:s4], $0x0  }
0x19: {  	s7 =	sld [smem:$0x3F9E]  }
0x1a: {  	s8 =	sadd.s32 $0xFFFFE003, lr  }
0x1b: {  	s9 =	sadd.s32 $0xFFFFFEF7, lr;
	s5 =	simm.s32 $0xFFFFFFFF;
	p2 =	slt.u32 s8, $0xFFFFF086  }
0x1c: {  	p1 =	slt.u32 s9, $0xF7A;
	s5 =	simm.s32 @!p2 $0x0  }
0x1d: {  	s5 =	simm.s32 @p1 $0x1;
	p0 =	seq.s32 s7, s2  }
0x1e: {  	s7 =	smul.u32 @!p0 $0xF7A, s2;
	p2 =	seq.s32 @!p0 s5, $0x0  }
0x1f: {  	s9 =	smul.u32 $0xF7A, s1;
	s8 =	simm.s32 @!p0 $0x1BF5;
	p2 =	por !p2, p0  }
0x20: {  	[sflag:s8] =	ssyncset.s32 @!p0 $0xFFFFF086;
	s6 =	sadd.s32 @!p0 s3, s7;
	s7 =	simm.s32 @!p0 $0x108  }
0x21: {  	s3 =	sadd.s32 s3, s9;
	s6 =	sadd.s32 @!p0 $0x88, s6;
	s7 =	simm.s32 @p2 $0x1082  }
0x22: {  	[simem:s7], [sflag:s8] =	dma.local @!p0 [hbm:s6], $0xF7A  }
0x23: {  	s9 =	sor.u32 $0xD0000000, s2;
	s6 =	simm.s32 $0x108;
	_ =	swait.ge @!p0 [sflag:s8], $0x0  }
0x24: {  	s3 =	sadd.s32 $0x88, s3;
	s6 =	simm.s32 @!p1 $0x1082;
	[sflag:s4] =	ssyncset.s32 $0xFFFFF086  }
0x25: {  	[simem:s6], [sflag:s4] =	dma.local [hbm:s3], $0xF7A  }
0x26: {  	[smem:$0x3F9E] =	sst s1;
	(tag) =	ssettag s2;
	_ =	strace s9  }
0x27: {  	s1 =	sld [smem:$0x3FAE]  }
0x28: {  	s2 =	sld [smem:$0x3FAF]  }
0x29: {  	s4 =	sld [smem:$0x3FB1]  }
0x2a: {  	p0 =	seq.s32 s5, $0x0;
	s5 =	sld [smem:$0x3FB2]  }
0x2b: {  	s6 =	sld [smem:$0x3FB3]  }
0x2c: {  	s7 =	sld [smem:$0x3FB4]  }
0x2d: {  	s3 =	simm.s32 $0x108;
	s8 =	sld [smem:$0x3FB5]  }
0x2e: {  	s3 =	simm.s32 @!p0 $0x1082;
	s9 =	sld [smem:$0x3FB6]  }
0x2f: {  	lr =	sadd.s32 s0, s3;
	s0 =	sld [smem:$0x3FAD]  }
0x30: {  	s3 =	sld [smem:$0x3FB0]  }
0x31: {  	[smem:$0x3FB9] =	sst s10  }
0x32: {  	s10 =	sld [smem:$0x3FB7];
	_ =	sdelay $0x3  }
0x33: {  	p0 =	seq.s32 s10, $0x1;
	s10 =	sld [smem:$0x3FB9];
	_ =	sdelay $0x3  }
0x34: {  	[smem:$0x3FB9] =	sst s10  }
0x35: {  	s10 =	sld [smem:$0x3FB8];
	_ =	sdelay $0x3  }
0x36: {  	p1 =	seq.s32 s10, $0x1;
	s10 =	sld [smem:$0x3FB9];
	_ =	sdelay $0x3  }
0x37: {  	[smem:$0x3FB9] =	sst s10  }
0x38: {  	s10 =	sld [smem:$0x3FBA]  }
0x39: {  	_ = 	snop;
	(pc) =	sbr.ind lr, $3  }
0x3a: {  	_ = 	snop  }
0x3b: {  	_ = 	snop  }
0x3c: {  	p2 =	seq.s32 s10, $0x1;
	s10 =	sld [smem:$0x3FB9]  }
0x3d: {  	_ =	shalt  }
0x3e: {  	_ =	shalt  }
0x3f: {  	_ =	shalt  }
0x40: {  	_ =	shalt  }
0x41: {  	_ =	shalt  }
0x42: {  	_ =	shalt  }
0x43: {  	_ =	shalt  }
0x44: {  	_ =	shalt  }
0x45: {  	_ =	shalt  }
0x46: {  	_ =	shalt  }
0x47: {  	_ =	shalt  }
0x48: {  	_ =	shalt  }
0x49: {  	_ =	shalt  }
0x4a: {  	_ =	shalt  }
0x4b: {  	_ =	shalt  }
0x4c: {  	_ =	shalt  }
0x4d: {  	_ =	shalt  }
0x4e: {  	_ =	shalt  }
0x4f: {  	_ =	shalt  }
0x50: {  	_ =	shalt  }
0x51: {  	_ =	shalt  }
0x52: {  	_ =	shalt  }
0x53: {  	_ =	shalt  }
0x54: {  	_ =	shalt  }
0x55: {  	_ =	shalt  }
0x56: {  	_ =	shalt  }
0x57: {  	_ =	shalt  }
0x58: {  	_ =	shalt  }
0x59: {  	_ =	shalt  }
0x5a: {  	_ =	shalt  }
0x5b: {  	_ =	shalt  }
0x5c: {  	_ =	shalt  }
0x5d: {  	_ =	shalt  }
0x5e: {  	_ =	shalt  }
0x5f: {  	_ =	shalt  }
0x60: {  	_ =	shalt  }
0x61: {  	_ =	shalt  }
0x62: {  	_ =	shalt  }
0x63: {  	_ =	shalt  }
0x64: {  	_ =	shalt  }
0x65: {  	_ =	shalt  }
0x66: {  	_ =	shalt  }
0x67: {  	_ =	shalt  }
0x68: {  	_ =	shalt  }
0x69: {  	_ =	shalt  }
0x6a: {  	_ =	shalt  }
0x6b: {  	_ =	shalt  }
0x6c: {  	_ =	shalt  }
0x6d: {  	_ =	shalt  }
0x6e: {  	_ =	shalt  }
0x6f: {  	_ =	shalt  }
0x70: {  	_ =	shalt  }
0x71: {  	_ =	shalt  }
0x72: {  	_ =	shalt  }
0x73: {  	_ =	shalt  }
0x74: {  	_ =	shalt  }
0x75: {  	_ =	shalt  }
0x76: {  	_ =	shalt  }
0x77: {  	_ =	shalt  }
0x78: {  	_ =	shalt  }
0x79: {  	_ =	shalt  }
0x7a: {  	_ =	shalt  }
0x7b: {  	_ =	shalt  }
0x7c: {  	_ =	shalt  }
0x7d: {  	_ =	shalt  }
0x7e: {  	_ =	shalt  }
0x7f: {  	_ =	shalt  }
0x80: {  	_ =	shalt  }
0x81: {  	_ =	shalt  }
0x82: {  	_ =	shalt  }
0x83: {  	_ =	shalt  }
0x84: {  	_ =	shalt  }
0x85: {  	_ =	shalt  }
0x86: {  	_ =	shalt  }
0x87: {  	_ =	shalt  }
.Lfunc_end0:
.L_simem_size_0:
called_computation_lowered:
.L_overlay_start_0:
0x88: {  	s2 =	sld [smem:$0x3FD9]  }
0x89: {  	s3 =	sld [smem:$0x3FFE];
	_ =	sdelay $0x1  }
0x8a: {  	s1 =	srdreg.scid  }
0x8b: {  	s0 =	sand.u32 $0x1, s1  }
0x8c: {  	s14 =	sshll.u32 s0, $0xA;
	s2 =	sadd.s32 s3, s2  }
0x8d: {  	s2 =	sadd.s32 s2, s14  }
0x8e: {  	[smem:$0x3FC5] =	sst s2  }
0x8f: {  	_ = 	snop  }
0x90: {  	s2 =	sld [smem:$0x3FD0];
	_ =	sdelay $0x2  }
0x91: {  	s15 =	simm.s32 $0xA;
	s4 =	simm.s32 $0x10  }
0x92: {  	[smem:s4], [sflag:s15] =	dma.local [hbm:s2], $0x1  }
0x93: {  	_ =	swait.eq [sflag:s15], $0x1  }
0x94: {  	[sflag:s15] =	ssyncset.done $0x0  }
0x95: {  	[sflag:s15] =	ssyncadd.s32 $0xFFFFFFFF  }
0x96: {  	s16 =	sld [smem:$0x12];
	(tm) =	ssettm $0x1  }
0x97: {  	s17 =	sld [smem:$0x3FFB];
	_ =	sdelay $0x3  }
0x98: {  	_ =	strace s17  }
0x99: {  	s3 =	sld [smem:$0x3FFC];
	_ =	sdelay $0x3  }
0x9a: {  	_ =	strace s3  }
0x9b: {  	s3 =	sld [smem:$0x3FFD];
	_ =	sdelay $0x3  }
0x9c: {  	_ =	strace s3  }
0x9d: {  	_ =	strace $0x8FFFFFFF  }
0x9e: {  	s18 =	sld [smem:$0x3FDB];
	_ =	sdelay $0x1  }
0x9f: {  	s19 =	simm.s32 $_scs_section_size  }
0xa0: {  	s5 =	simm.s32 $_size__tile_overlayer_lowered;
	s6 =	simm.s32 $_tile_overlayer_lowered  }
0xa1: {  	s22 =	simm.s32 $0x1BFF;
	s21 =	sshll.u32 s6, $0x1;
	s3 =	sadd.s32 s19, s18  }
0xa2: {  	s7 =	simm.s32 $0x0;
	s20 =	sshll.u32 s5, $0x1;
	s5 =	sadd.s32 s21, s3  }
0xa3: {  	[timem:s7], [sflag:s22] =	dma.local [hbm:s5], s20  }
0xa4: {  	_ =	swait.ge [sflag:s22], s20  }
0xa5: {  	s4 =	ssub.s32 $0x0, s20;
	[sflag:s22] =	ssyncset.done $0x0  }
0xa6: {  	[sflag:s22] =	ssyncadd.s32 s4;
	_ =	sdelay $0x1  }
0xa7: {  	s23 =	simm.s32 $0x1B8B  }
0xa8: {  	_ =	swait.ge [sflag:s23], $0x1  }
0xa9: {  	[sflag:s23] =	ssyncset.done $0x0  }
0xaa: {  	s25 =	simm.s32 $0x1B8E;
	s24 =	sld [smem:$0x3FFE];
	[sflag:s23] =	ssyncadd.s32 $0xFFFFFFFF  }
0xab: {  	s26 =	simm.s32 $execute0_lowered;
	[smem:$0x3FD2] =	sst s25  }
0xac: {  	s5 =	sshll.u32 s26, $0x1;
	_ =	strace $0x80000046;
	[dreg:$0x1] =	wrdreg $0xFFFFFFFF  }
0xad: {  	s28 =	simm.s32 $_size_execute0_lowered;
	s3 =	sadd.s32 s3, s5;
	[dreg:$0x0] =	wrdreg $0x0  }
0xae: {  	s5 =	sshll.u32 s28, $0x1;
	[dreg:$0x2] =	wrdreg s3  }
0xaf: {  	[dreg:$0x3] =	wrdreg s5  }
0xb0: {  	[dreg:$0x4] =	wrdreg $0xC0  }
0xb1: {  	_ =	task [dreg:s7], $0x5FFFF  }
0xb2: {  	[dreg:$0x1] =	wrdreg $0xFFFFFFFF  }
0xb3: {  	[dreg:$0x0] =	wrdreg $0x60  }
0xb4: {  	[dreg:$0x2] =	wrdreg s24  }
0xb5: {  	[dreg:$0x3] =	wrdreg s16  }
0xb6: {  	[dreg:$0x4] =	wrdreg $0x9  }
0xb7: {  	_ =	task.clear_ibuf [dreg:s7], $0x5FFFF;
	_ =	strace $0x90000046  }
0xb8: {  	s29 =	simm.s32 $0x9;
	_ =	strace $0x80000048  }
0xb9: {  	_ =	swait.ge [sflag:s29], $0x1  }
0xba: {  	[sflag:s29] =	ssyncadd.s32 $0xFFFFFFFF  }
0xbb: {  	_ =	strace $0x90000048  }
0xbc: {  	_ =	sfence  }
0xbd: {  	s30 =	sld [smem:$0x0];
	_ =	sdelay $0x2  }
0xbe: {  	s31 =	sshll.u32 s1, $0xD;
	s1 =	sshrl.u32 s1, $0x2  }
0xbf: {  	s3 =	sand.u32 $0x4000, s31;
	s1 =	sadd.s32 s1, s30  }
0xc0: {  	s0 =	sor.u32 s3, s0;
	s1 =	sshll.u32 s1, $0x11  }
0xc1: {  	s0 =	sor.u32 s1, s0  }
0xc2: {  	s0 =	sadd.s32 $0x8F2B, s0  }
0xc3: {  	[sflag:s0] =	ssyncadd.remote.s32 $0x1  }
0xc4: {  	_ =	sfence.sel $0xFFFF  }
0xc5: {  	[dreg:$0x0] =	wrdreg $0xFFFFFFFF;
	(pc) =	sbr.abs _section_cstart, $3  }
0xc6: {  	[dreg:$0x1] =	wrdreg $0xFFFFFFFF  }
0xc7: {  	_ =	task.clear_ibuf [dreg:s7], $0x2FFFF;
	_ =	strace $0x9FFFFFFF  }
0xc8: {  	(tm) =	ssettm $0x7FFFFFFF  }
0xc9: {  	_ =	shalt  }
tec
execute0_lowered:
.L_overlay_start_1:
0x0: {  	(tag) =	ssettag $0x1  }
0x1: {  	s1 =	srdreg.scid  }
0x2: {  	s8 =	rddreg [dreg:$0x0];
	s0 =	stileid.u32;
	s10 =	sand.u32 $0x1, s1  }
0x3: {  	s9 =	rddreg [dreg:$0x1];
	s3 =	sshll.u32 s0, $0x2;
	s4 =	sshll.u32 s10, $0x1  }
0x4: {  	s2 =	simm.s32 $0x0;
	s1 =	rddreg [dreg:$0x2];
	s11 =	sor.u32 s4, s3  }
0x5: {  	[smem:$0x7FF] =	sst s2;
	s3 =	sshll.u32 s11, $0x4  }
0x6: {  	_ =	strace $0x80000047;
	s4 =	sadd.s32 s9, s3;
	s3 =	simm.s32 $0x2  }
0x7: {  	[tilespmem:s2], [sflag:$0x2] =	stream.linear.gather [hbm4b:s4+s2], $0x80, $0x38;
	[tilespmem:$0x4080] =	vst v63  }
0x8: {  	_ =	swait.ge [sflag:s3], $0x80  }
0x9: {  	s6 =	simm.s32 $0x80;
	[sflag:s3] =	ssyncset.done $0x0  }
0xa: {  	s7 =	simm.s32 $0x1;
	s5 =	sadd.s32 $0xE00, s8;
	[sflag:s3] =	ssyncadd.s32 $0xFFFFFF80  }
0xb: {  	[tilespmem:s6], [sflag:$0x1] =	stream.indirect.gather [hbm4b:s5+s6], $0x80, s2, s6, $0xb8;
	[tilespmem:$0x4080] =	vst v63  }
0xc: {  	s12 =	sadd.s32 $0x20E00, s8;
	_ =	swait.ge [sflag:s7], $0x4000  }
0xd: {  	s13 =	sshll.u32 s0, $0x6;
	s26 =	sshll.u32 s11, $0xB;
	[sflag:s7] =	ssyncset.done $0x0  }
0xe: {  	s11 =	sor.u32 $0x1, s11;
	s8 =	sadd.s32 s12, s26;
	[sflag:s7] =	ssyncadd.s32 $0xFFFFC000  }
0xf: {  	[hbm4b:s8+s2] =	stream.linear.scatter [tilespmem:s6], [sflag:$0x2], $0x4000, $0x38;
	[tilespmem:$0x4080] =	vst v63  }
0x10: {  	s13 =	sand.u32 $0x380, s13;
	s14 =	sshll.u32 s11, $0x4;
	_ =	swait.ge [sflag:s3], $0x4000  }
0x11: {  	s9 =	sadd.s32 s9, s13;
	s28 =	sand.u32 $0x70, s14;
	[sflag:s3] =	ssyncset.done $0x0  }
0x12: {  	s10 =	ssub.s32 $0x2, s10;
	s9 =	sadd.s32 s28, s9;
	[sflag:s3] =	ssyncadd.s32 $0xFFFFC000  }
0x13: {  	[tilespmem:s2], [sflag:$0x2] =	stream.linear.gather [hbm4b:s9+s2], $0x80, $0x38;
	[tilespmem:$0x4080] =	vst v63  }
0x14: {  	s29 =	sshrl.u32 s10, $0x1;
	_ =	swait.ge [sflag:s3], $0x80  }
0x15: {  	s13 =	ssub.s32 s10, s29;
	[sflag:s3] =	ssyncset.done $0x0  }
0x16: {  	s31 =	smax.u32 s13, $0x1;
	[sflag:s3] =	ssyncadd.s32 $0xFFFFFF80  }
0x17: {  	[tilespmem:s6], [sflag:$0x1] =	stream.indirect.gather [hbm4b:s5+s6], $0x80, s2, s6, $0xb8;
	[tilespmem:$0x4080] =	vst v63  }
0x18: {  	p0 =	sne.s32 s31, $0x1;
	_ =	swait.ge [sflag:s7], $0x4000  }
.Ltmp0:
0x19: {  	s30 =	sshll.u32 s11, $0xB;
	[sflag:s7] =	ssyncset.done $0x0;
	(pc) =	sbr.rel @!p0 .LBB2_2-.Ltmp0, $4  }
0x1a: {  	s10 =	sadd.s32 s12, s30;
	[sflag:s7] =	ssyncadd.s32 $0xFFFFC000  }
0x1b: {  	[hbm4b:s10+s2] =	stream.linear.scatter [tilespmem:s6], [sflag:$0x2], $0x4000, $0x38;
	[tilespmem:$0x4080] =	vst v63  }
0x1c: {  	_ =	swait.ge [sflag:s3], $0x4000  }
0x1d: {  	s11 =	sadd.s32 $0xFFFFFFFF, s31;
	[sflag:s3] =	ssyncset.done $0x0  }
.LBB2_1:
0x1e: {  	p0 =	sne.s32 s11, $0x1;
	s11 =	sadd.s32 $0xFFFFFFFF, s11;
	[sflag:s3] =	ssyncadd.s32 $0xFFFFC000  }
0x1f: {  	[tilespmem:s2], [sflag:$0x2] =	stream.linear.gather [hbm4b:s4+s2], $0x80, $0x38;
	[tilespmem:$0x4080] =	vst v63  }
0x20: {  	_ =	swait.ge [sflag:s3], $0x80  }
0x21: {  	[sflag:s3] =	ssyncset.done $0x0  }
0x22: {  	[sflag:s3] =	ssyncadd.s32 $0xFFFFFF80  }
0x23: {  	[tilespmem:s6], [sflag:$0x1] =	stream.indirect.gather [hbm4b:s5+s6], $0x80, s2, s6, $0xb8;
	[tilespmem:$0x4080] =	vst v63  }
0x24: {  	_ =	swait.ge [sflag:s7], $0x4000  }
0x25: {  	[sflag:s7] =	ssyncset.done $0x0  }
0x26: {  	[sflag:s7] =	ssyncadd.s32 $0xFFFFC000  }
0x27: {  	[hbm4b:s8+s2] =	stream.linear.scatter [tilespmem:s6], [sflag:$0x2], $0x4000, $0x38;
	[tilespmem:$0x4080] =	vst v63  }
0x28: {  	_ =	swait.ge [sflag:s3], $0x4000  }
0x29: {  	[sflag:s3] =	ssyncset.done $0x0  }
0x2a: {  	[sflag:s3] =	ssyncadd.s32 $0xFFFFC000  }
0x2b: {  	[tilespmem:s2], [sflag:$0x2] =	stream.linear.gather [hbm4b:s9+s2], $0x80, $0x38;
	[tilespmem:$0x4080] =	vst v63  }
0x2c: {  	_ =	swait.ge [sflag:s3], $0x80  }
0x2d: {  	[sflag:s3] =	ssyncset.done $0x0  }
0x2e: {  	[sflag:s3] =	ssyncadd.s32 $0xFFFFFF80  }
0x2f: {  	[tilespmem:s6], [sflag:$0x1] =	stream.indirect.gather [hbm4b:s5+s6], $0x80, s2, s6, $0xb8;
	[tilespmem:$0x4080] =	vst v63  }
0x30: {  	_ =	swait.ge [sflag:s7], $0x4000  }
.Ltmp1:
0x31: {  	[sflag:s7] =	ssyncset.done $0x0;
	(pc) =	sbr.rel @p0 .LBB2_1-.Ltmp1, $4  }
0x32: {  	[sflag:s7] =	ssyncadd.s32 $0xFFFFC000  }
0x33: {  	[hbm4b:s10+s2] =	stream.linear.scatter [tilespmem:s6], [sflag:$0x2], $0x4000, $0x38;
	[tilespmem:$0x4080] =	vst v63  }
0x34: {  	_ =	swait.ge [sflag:s3], $0x4000  }
0x35: {  	[sflag:s3] =	ssyncset.done $0x0  }
.LBB2_2:
0x36: {  	[sflag:s3] =	ssyncadd.s32 $0xFFFFC000  }
0x37: {  	_ =	sfence.sel $0x180000  }
0x38: {  	[bflag:$0x0] =	sbarrier.arrive $0xFFFF  }
0x39: {  	p0 =	sne.s32 s0, $0x0;
	_ =	strace $0x90000047  }
0x3a: {  	s0 =	sadd.s32 @!p0 $0x100000, s1;
	[bflag:$0x2] =	sbarrier.arrive $0xFFFF  }
0x3b: {  	[sflag:s0] =	ssyncadd.tile.s32 @!p0 $0x1;
	_ =	shalt  }
.Lfunc_end2:
_tile_overlayer_lowered:
.L_overlay_start_2:
0x3c: {  	(tag) =	ssettag $0x2  }
0x3d: {  	s0 =	rddreg [dreg:$0x0];
	s2 =	stileid.u32  }
0x3e: {  	s1 =	rddreg [dreg:$0x1];
	p0 =	sne.s32 s2, $0x0  }
0x3f: {  	s3 =	rddreg [dreg:$0x2];
	[bflag:$0x3] =	sbarrier.arrive $0xFFFF;
	s2 =	simm.s32 @!p0 $0x1C02  }
0x40: {  	[timem:s3], [sflag:s2] =	dma.local @!p0 [hbm:s0], s1  }
0x41: {  	s0 =	simm.s32 @!p0 $0x2  }
0x42: {  	_ =	swait.ge @!p0 [sflag:s0], s1  }
0x43: {  	s1 =	ssub.s32 @!p0 $0x0, s1;
	[sflag:s0] =	ssyncset.done @!p0 $0x0  }
0x44: {  	[sflag:s0] =	ssyncadd.s32 @!p0 s1  }
0x45: {  	[bflag:$0x3] =	sbarrier.arrive $0xFFFF  }
0x46: {  	_ =	shalt  }

</sc_bundles>
